<compile_context>
chip_gen: v7x
topology: tpu7x:2x2x1
jax: 0.10.2.dev20260603
libtpu: 0.0.44.dev20260713+nightly
codegen_flags: <defaults>
</compile_context>

<pallas_src>
import functools

import jax
import jax.numpy as jnp
from jax import lax
from jax.experimental import pallas as pl
from jax.experimental.pallas import tpu as pltpu
from jax.experimental.pallas import tpu_sc as plsc

_VOCAB = 100000
_CTX = 200
_ND = 32
_HID = 128

_VB = 20000
_NB = _VOCAB // _VB
_KS = 4
_VS = _VB // _KS


def _sc_gather(table2, gidx):
    bpw = 8
    nw = _CTX // bpw
    mesh = plsc.VectorSubcoreMesh(core_axis_name="c", subcore_axis_name="s")

    @functools.partial(
        pl.kernel,
        mesh=mesh,
        out_type=jax.ShapeDtypeStruct((_CTX, 4 * _ND), jnp.float32),
        scratch_types=[
            pltpu.VMEM((bpw,), jnp.int32),
            pltpu.VMEM((bpw, 4 * _ND), jnp.float32),
            pltpu.SemaphoreType.DMA,
        ],
    )
    def gather_kernel(table_hbm, idx_hbm, out_hbm, idx_v, rows_v, sem):
        wid = lax.axis_index("s") * 2 + lax.axis_index("c")

        @pl.when(wid < nw)
        def _():
            base = wid * bpw
            pltpu.sync_copy(idx_hbm.at[pl.ds(base, bpw)], idx_v)
            pltpu.async_copy(table_hbm.at[idx_v], rows_v, sem).wait()
            pltpu.sync_copy(rows_v, out_hbm.at[pl.ds(base, bpw)])

    return gather_kernel(table2, gidx)


def _mlp_body(emb_ref, w1_ref, b1_ref, w2a_ref, w2b_ref, w2c_ref, w2d_ref,
              b2_ref, out_ref, h_ref, m_ref):
    i = pl.program_id(0)

    @pl.when(i == 0)
    def _():
        pre = lax.dot_general(emb_ref[...], w1_ref[...],
                              (((1,), (1,)), ((), ())),
                              preferred_element_type=jnp.float32)
        h_ref[...] = jnp.maximum(pre + b1_ref[...], 0.0)
        m_ref[0] = jnp.float32(-jnp.inf)

    @pl.when(i < _NB)
    def _():
        parts = [
            lax.dot_general(h_ref[...], w_ref[...],
                            (((1,), (1,)), ((), ())),
                            preferred_element_type=jnp.float32)
            for w_ref in (w2a_ref, w2b_ref, w2c_ref, w2d_ref)
        ]
        logits = jnp.concatenate(parts, axis=1) + b2_ref[pl.ds(i, 1), :]
        out_ref[pl.ds(i, 1), :] = logits
        m_ref[0] = jnp.maximum(m_ref[0], jnp.max(logits))

    @pl.when(i == _NB)
    def _():
        m = m_ref[0]
        allv = out_ref[...]
        lse = m + jnp.log(jnp.sum(jnp.exp(allv - m)))
        out_ref[...] = allv - lse


def _tc_mlp(emb, W1, b1, W2, b2):
    return pl.pallas_call(
        _mlp_body,
        grid=(_NB + 1,),
        in_specs=[
            pl.BlockSpec((1, _CTX * _ND), lambda i: (0, 0)),
            pl.BlockSpec((_HID, _CTX * _ND), lambda i: (0, 0)),
            pl.BlockSpec((1, _HID), lambda i: (0, 0)),
        ] + [
            pl.BlockSpec((_VS, _HID),
                         functools.partial(
                             lambda k, i: (_KS * jnp.minimum(i, _NB - 1) + k, 0), k))
            for k in range(_KS)
        ] + [
            pl.BlockSpec((_NB, _VB), lambda i: (0, 0)),
        ],
        out_specs=pl.BlockSpec((_NB, _VB), lambda i: (0, 0)),
        out_shape=jax.ShapeDtypeStruct((_NB, _VB), jnp.float32),
        scratch_shapes=[
            pltpu.VMEM((1, _HID), jnp.float32),
            pltpu.SMEM((1,), jnp.float32),
        ],
        compiler_params=pltpu.CompilerParams(
            dimension_semantics=("arbitrary",)),
    )(emb, W1, b1, W2, W2, W2, W2, b2)


def kernel(x, emb_table, W1, b1, W2, b2):
    x32 = x.astype(jnp.int32)
    table2 = emb_table.reshape(_VOCAB // 4, 4 * _ND)
    groups = _sc_gather(table2, x32 // 4)
    sub = (x32 % 4)[:, None] * _ND + jnp.arange(_ND)[None, :]
    rows = jnp.take_along_axis(groups, sub, axis=1)
    emb = rows.reshape(1, _CTX * _ND)
    out = _tc_mlp(emb, W1, b1.reshape(1, _HID), W2,
                  b2.reshape(_NB, _VB))
    return out.reshape(1, _VOCAB)

# --- scband reference (transcript-rebuilt; emitter-appended) ---
"""Pipeline reference for scband-n-gram-model-30614526886171 (READ-ONLY COPY).

The authoritative reference and input builder live on the scoring server;
editing this copy changes nothing except your own understanding.
"""

import jax, jax.numpy as jnp
import numpy as np

VOCAB = 100000
CONTEXT = 200
NDIM = 32
HID = 128

def setup_inputs(seed: int = 0) -> dict:
    key = jax.random.key(seed)
    k_x, k_e, k_w1, k_b1, k_w2, k_b2 = jax.random.split(key, 6)
    x = jax.random.randint(k_x, (CONTEXT,), 0, VOCAB, dtype=jnp.int64 if jax.config.jax_enable_x64 else jnp.int32)
    emb_table = jax.random.normal(k_e, (VOCAB, NDIM), dtype=jnp.float32)
    W1 = jax.random.normal(k_w1, (HID, CONTEXT * NDIM), dtype=jnp.float32) * 0.02
    b1 = jnp.zeros((HID,), dtype=jnp.float32)
    W2 = jax.random.normal(k_w2, (VOCAB, HID), dtype=jnp.float32) * 0.02
    b2 = jnp.zeros((VOCAB,), dtype=jnp.float32)
    return {"x": x, "emb_table": emb_table, "W1": W1, "b1": b1, "W2": W2, "b2": b2}

def reference(x, emb_table, W1, b1, W2, b2):
    # embedding lookup (gather)
    emb = jnp.take(emb_table, x, axis=0)          # [CONTEXT, NDIM]
    emb = emb.reshape(1, -1)                      # [1, CONTEXT*NDIM]
    out = emb @ W1.T + b1                         # [1, HID]
    out = jax.nn.relu(out)
    out = out @ W2.T + b2                         # [1, VOCAB]
    log_prob = jax.nn.log_softmax(out, axis=-1)
    return log_prob

if __name__ == "__main__":
    import jax
    _d = setup_inputs()
    print(jax.jit(kernel)(*tuple(_d.values())))

</pallas_src>

<mosaic_0001>
#map = affine_map<(d0, d1) -> (0, 0)>
#map1 = affine_map<(d0, d1) -> (0)>
module attributes {stable_mosaic.version = 14 : i64} {
  func.func @gather_kernel(%arg0: i32, %arg1: i32, %arg2: memref<25000x128xf32, #tpu.memory_space<hbm>>, %arg3: memref<200xi32, #tpu.memory_space<hbm>>, %arg4: memref<200x128xf32, #tpu.memory_space<hbm>>, %arg5: memref<8xi32, #tpu.memory_space<vmem>>, %arg6: memref<8x128xf32, #tpu.memory_space<vmem>>, %arg7: memref<!tpu.dma_semaphore, #tpu.memory_space<semaphore_mem>>) attributes {dimension_semantics = [#tpu.dimension_semantics<core_parallel>, #tpu.dimension_semantics<subcore_parallel>], iteration_bounds = array<i64: 2, 16>, scalar_prefetch = 0 : i64, scratch_operands = 3 : i64, tpu.core_type = #tpu.core_type<sc_vector_subcore>, window_params = [{transform_indices = #map}, {transform_indices = #map1}, {transform_indices = #map}]} {
    %mul3A = arith.constant 2 : i32
    %mul3A_0 = arith.muli %arg1, %mul3A : i32
    %add3A = arith.addi %mul3A_0, %arg0 : i32
    %lt3A = arith.constant 25 : i32
    %lt3A_1 = arith.cmpi slt, %add3A, %lt3A : i32
    %convert_element_type3A = arith.extui %lt3A_1 : i1 to i32
    %cond3A = arith.constant 0 : i32
    %cond3A_2 = arith.cmpi ne, %convert_element_type3A, %cond3A : i32
    scf.if %cond3A_2 {
      %mul3A_3 = arith.constant 8 : i32
      %mul3A_4 = arith.muli %add3A, %mul3A_3 : i32
      "tpu.region"() ({
        %run_scoped3A = tpu.sem_alloc : memref<!tpu.dma_semaphore, #tpu.memory_space<semaphore_mem>>
        %dma_start3A_9 = tpu.memref_slice %arg3[%mul3A_4] : memref<200xi32, #tpu.memory_space<hbm>> -> memref<8xi32, #tpu.memory_space<hbm>>
        %dma_start3A_10 = tpu.memref_slice %arg3[%mul3A_4] : memref<200xi32, #tpu.memory_space<hbm>> -> memref<8xi32, #tpu.memory_space<hbm>>
        tpu.enqueue_dma source(%dma_start3A_10 : memref<8xi32, #tpu.memory_space<hbm>>) target(%arg5 : memref<8xi32, #tpu.memory_space<vmem>>) target_semaphore(%run_scoped3A : memref<!tpu.dma_semaphore, #tpu.memory_space<semaphore_mem>>)
        %dma_wait3A_11 = tpu.memref_slice %arg3[%mul3A_4] : memref<200xi32, #tpu.memory_space<hbm>> -> memref<8xi32, #tpu.memory_space<hbm>>
        %dma_wait3A_12 = tpu.memref_slice %arg3[%mul3A_4] : memref<200xi32, #tpu.memory_space<hbm>> -> memref<8xi32, #tpu.memory_space<hbm>>
        tpu.wait_dma2 semaphore(%run_scoped3A : memref<!tpu.dma_semaphore, #tpu.memory_space<semaphore_mem>>) src(%dma_wait3A_12 : memref<8xi32, #tpu.memory_space<hbm>>) dst(%arg5 : memref<8xi32, #tpu.memory_space<vmem>>)
        tpu.yield
      }) : () -> ()
      %dma_start3A = arith.constant 0 : i32
      %dma_start3A_5 = arith.constant 0 : i32
      %dma_start3A_6 = tpu.memref_slice %arg2[%dma_start3A, %dma_start3A_5] : memref<25000x128xf32, #tpu.memory_space<hbm>> -> memref<25000x128xf32, #tpu.memory_space<hbm>>
      tpu.enqueue_indirect_dma source(%dma_start3A_6 : memref<25000x128xf32, #tpu.memory_space<hbm>>) target(%arg6 : memref<8x128xf32, #tpu.memory_space<vmem>>) offsets(%arg5 : memref<8xi32, #tpu.memory_space<vmem>>) semaphore(%arg7 : memref<!tpu.dma_semaphore, #tpu.memory_space<semaphore_mem>>)
      %dma_wait3A = arith.constant 0 : i32
      %dma_wait3A_7 = arith.constant 0 : i32
      %dma_wait3A_8 = tpu.memref_slice %arg2[%dma_wait3A, %dma_wait3A_7] : memref<25000x128xf32, #tpu.memory_space<hbm>> -> memref<25000x128xf32, #tpu.memory_space<hbm>>
      tpu.wait_indirect_dma semaphore(%arg7 : memref<!tpu.dma_semaphore, #tpu.memory_space<semaphore_mem>>) src(%dma_wait3A_8 : memref<25000x128xf32, #tpu.memory_space<hbm>>) dst(%arg6 : memref<8x128xf32, #tpu.memory_space<vmem>>)
      "tpu.region"() ({
        %run_scoped3A = tpu.sem_alloc : memref<!tpu.dma_semaphore, #tpu.memory_space<semaphore_mem>>
        %dma_start3A_9 = arith.constant 0 : i32
        %dma_start3A_10 = tpu.memref_slice %arg4[%mul3A_4, %dma_start3A_9] : memref<200x128xf32, #tpu.memory_space<hbm>> -> memref<8x128xf32, #tpu.memory_space<hbm>>
        %dma_start3A_11 = arith.constant 0 : i32
        %dma_start3A_12 = tpu.memref_slice %arg4[%mul3A_4, %dma_start3A_11] : memref<200x128xf32, #tpu.memory_space<hbm>> -> memref<8x128xf32, #tpu.memory_space<hbm>>
        tpu.enqueue_dma source(%arg6 : memref<8x128xf32, #tpu.memory_space<vmem>>) target(%dma_start3A_12 : memref<8x128xf32, #tpu.memory_space<hbm>>) target_semaphore(%run_scoped3A : memref<!tpu.dma_semaphore, #tpu.memory_space<semaphore_mem>>)
        %dma_wait3A_13 = arith.constant 0 : i32
        %dma_wait3A_14 = tpu.memref_slice %arg4[%mul3A_4, %dma_wait3A_13] : memref<200x128xf32, #tpu.memory_space<hbm>> -> memref<8x128xf32, #tpu.memory_space<hbm>>
        %dma_wait3A_15 = arith.constant 0 : i32
        %dma_wait3A_16 = tpu.memref_slice %arg4[%mul3A_4, %dma_wait3A_15] : memref<200x128xf32, #tpu.memory_space<hbm>> -> memref<8x128xf32, #tpu.memory_space<hbm>>
        tpu.wait_dma2 semaphore(%run_scoped3A : memref<!tpu.dma_semaphore, #tpu.memory_space<semaphore_mem>>) src(%arg6 : memref<8x128xf32, #tpu.memory_space<vmem>>) dst(%dma_wait3A_16 : memref<8x128xf32, #tpu.memory_space<hbm>>)
        tpu.yield
      }) : () -> ()
    } else {
    }
    return
  }
}

module attributes {stable_mosaic.version = 14 : i64} {
  func.func @_mlp_body(%arg0: i32, %arg1: memref<1x6400xf32, #tpu.memory_space<vmem>>, %arg2: memref<128x6400xf32, #tpu.memory_space<vmem>>, %arg3: memref<1x128xf32, #tpu.memory_space<vmem>>, %arg4: memref<5000x128xf32, #tpu.memory_space<vmem>>, %arg5: memref<5000x128xf32, #tpu.memory_space<vmem>>, %arg6: memref<5000x128xf32, #tpu.memory_space<vmem>>, %arg7: memref<5000x128xf32, #tpu.memory_space<vmem>>, %arg8: memref<5x20000xf32, #tpu.memory_space<vmem>>, %arg9: memref<5x20000xf32, #tpu.memory_space<vmem>>, %arg10: memref<1x128xf32, #tpu.memory_space<vmem>>, %arg11: memref<1xf32, #tpu.memory_space<smem>>) attributes {dimension_semantics = [#tpu.dimension_semantics<arbitrary>], iteration_bounds = array<i64: 6>, scalar_prefetch = 0 : i64, scratch_operands = 2 : i64, tpu.core_type = #tpu.core_type<tc>, window_params = [{pipeline_mode = #tpu.pipeline_mode<synchronous>, transform_indices = @transform_0, window_bounds = array<i64: 1, 6400>}, {pipeline_mode = #tpu.pipeline_mode<synchronous>, transform_indices = @transform_1, window_bounds = array<i64: 128, 6400>}, {pipeline_mode = #tpu.pipeline_mode<synchronous>, transform_indices = @transform_2, window_bounds = array<i64: 1, 128>}, {transform_indices = @transform_3, window_bounds = array<i64: 5000, 128>}, {transform_indices = @transform_4, window_bounds = array<i64: 5000, 128>}, {transform_indices = @transform_5, window_bounds = array<i64: 5000, 128>}, {transform_indices = @transform_6, window_bounds = array<i64: 5000, 128>}, {pipeline_mode = #tpu.pipeline_mode<synchronous>, transform_indices = @transform_7, window_bounds = array<i64: 5, 20000>}, {pipeline_mode = #tpu.pipeline_mode<synchronous>, transform_indices = @transform_8, window_bounds = array<i64: 5, 20000>}]} {
    %eq3A = arith.constant 0 : i32
    %eq3A_0 = arith.cmpi eq, %arg0, %eq3A : i32
    %convert_element_type3A = arith.extui %eq3A_0 : i1 to i32
    %cond3A = arith.constant 0 : i32
    %cond3A_1 = arith.cmpi ne, %convert_element_type3A, %cond3A : i32
    scf.if %cond3A_1 {
      %get3A = arith.constant 0 : index
      %get3A_11 = arith.constant 0 : index
      %get3A_12 = vector.load %arg1[%get3A, %get3A_11] : memref<1x6400xf32, #tpu.memory_space<vmem>>, vector<1x6400xf32>
      %get3A_13 = arith.constant 0 : index
      %get3A_14 = arith.constant 0 : index
      %get3A_15 = vector.load %arg2[%get3A_13, %get3A_14] : memref<128x6400xf32, #tpu.memory_space<vmem>>, vector<128x6400xf32>
      %dot_general3A = arith.constant dense<0.000000e+00> : vector<1x128xf32>
      %dot_general3A_16 = tpu.matmul %get3A_12, %get3A_15, %dot_general3A {dimension_numbers = #tpu.dot_dimension_numbers<[1], [1], [0], [0], [0, 0, 1, 0], [], []>, transpose_lhs_hint = false} : vector<1x6400xf32>, vector<128x6400xf32>, vector<1x128xf32> -> vector<1x128xf32>
      %get3A_17 = arith.constant 0 : index
      %get3A_18 = arith.constant 0 : index
      %get3A_19 = vector.load %arg3[%get3A_17, %get3A_18] : memref<1x128xf32, #tpu.memory_space<vmem>>, vector<1x128xf32>
      %add3A = arith.addf %dot_general3A_16, %get3A_19 : vector<1x128xf32>
      %max3A = arith.constant 0.000000e+00 : f32
      %max3A_20 = vector.broadcast %max3A : f32 to vector<1x128xf32>
      %max3A_21 = arith.maximumf %add3A, %max3A_20 : vector<1x128xf32>
      %swap3A = arith.constant 0 : index
      %swap3A_22 = arith.constant 0 : index
      %swap3A_23 = vector.load %arg10[%swap3A, %swap3A_22] : memref<1x128xf32, #tpu.memory_space<vmem>>, vector<1x128xf32>
      tpu.vector_store %arg10[%swap3A, %swap3A_22], %max3A_21 {strides = array<i32>} : memref<1x128xf32, #tpu.memory_space<vmem>>, vector<1x128xf32>,
      %swap3A_24 = arith.constant 0xFF800000 : f32
      %swap3A_25 = arith.constant 0 : index
      %swap3A_26 = memref.load %arg11[%swap3A_25] : memref<1xf32, #tpu.memory_space<smem>>
      memref.store %swap3A_24, %arg11[%swap3A_25] : memref<1xf32, #tpu.memory_space<smem>>
    } else {
    }
    %lt3A = arith.constant 5 : i32
    %lt3A_2 = arith.cmpi slt, %arg0, %lt3A : i32
    %convert_element_type3A_3 = arith.extui %lt3A_2 : i1 to i32
    %cond3A_4 = arith.constant 0 : i32
    %cond3A_5 = arith.cmpi ne, %convert_element_type3A_3, %cond3A_4 : i32
    scf.if %cond3A_5 {
      %get3A = arith.constant 0 : index
      %get3A_11 = arith.constant 0 : index
      %get3A_12 = vector.load %arg10[%get3A, %get3A_11] : memref<1x128xf32, #tpu.memory_space<vmem>>, vector<1x128xf32>
      %get3A_13 = arith.constant 0 : index
      %get3A_14 = arith.constant 0 : index
      %get3A_15 = vector.load %arg4[%get3A_13, %get3A_14] : memref<5000x128xf32, #tpu.memory_space<vmem>>, vector<5000x128xf32>
      %dot_general3A = arith.constant dense<0.000000e+00> : vector<1x5000xf32>
      %dot_general3A_16 = tpu.matmul %get3A_12, %get3A_15, %dot_general3A {dimension_numbers = #tpu.dot_dimension_numbers<[1], [1], [0], [0], [0, 0, 1, 0], [], []>, transpose_lhs_hint = false} : vector<1x128xf32>, vector<5000x128xf32>, vector<1x5000xf32> -> vector<1x5000xf32>
      %get3A_17 = arith.constant 0 : index
      %get3A_18 = arith.constant 0 : index
      %get3A_19 = vector.load %arg10[%get3A_17, %get3A_18] : memref<1x128xf32, #tpu.memory_space<vmem>>, vector<1x128xf32>
      %get3A_20 = arith.constant 0 : index
      %get3A_21 = arith.constant 0 : index
      %get3A_22 = vector.load %arg5[%get3A_20, %get3A_21] : memref<5000x128xf32, #tpu.memory_space<vmem>>, vector<5000x128xf32>
      %dot_general3A_23 = arith.constant dense<0.000000e+00> : vector<1x5000xf32>
      %dot_general3A_24 = tpu.matmul %get3A_19, %get3A_22, %dot_general3A_23 {dimension_numbers = #tpu.dot_dimension_numbers<[1], [1], [0], [0], [0, 0, 1, 0], [], []>, transpose_lhs_hint = false} : vector<1x128xf32>, vector<5000x128xf32>, vector<1x5000xf32> -> vector<1x5000xf32>
      %get3A_25 = arith.constant 0 : index
      %get3A_26 = arith.constant 0 : index
      %get3A_27 = vector.load %arg10[%get3A_25, %get3A_26] : memref<1x128xf32, #tpu.memory_space<vmem>>, vector<1x128xf32>
      %get3A_28 = arith.constant 0 : index
      %get3A_29 = arith.constant 0 : index
      %get3A_30 = vector.load %arg6[%get3A_28, %get3A_29] : memref<5000x128xf32, #tpu.memory_space<vmem>>, vector<5000x128xf32>
      %dot_general3A_31 = arith.constant dense<0.000000e+00> : vector<1x5000xf32>
      %dot_general3A_32 = tpu.matmul %get3A_27, %get3A_30, %dot_general3A_31 {dimension_numbers = #tpu.dot_dimension_numbers<[1], [1], [0], [0], [0, 0, 1, 0], [], []>, transpose_lhs_hint = false} : vector<1x128xf32>, vector<5000x128xf32>, vector<1x5000xf32> -> vector<1x5000xf32>
      %get3A_33 = arith.constant 0 : index
      %get3A_34 = arith.constant 0 : index
      %get3A_35 = vector.load %arg10[%get3A_33, %get3A_34] : memref<1x128xf32, #tpu.memory_space<vmem>>, vector<1x128xf32>
      %get3A_36 = arith.constant 0 : index
      %get3A_37 = arith.constant 0 : index
      %get3A_38 = vector.load %arg7[%get3A_36, %get3A_37] : memref<5000x128xf32, #tpu.memory_space<vmem>>, vector<5000x128xf32>
      %dot_general3A_39 = arith.constant dense<0.000000e+00> : vector<1x5000xf32>
      %dot_general3A_40 = tpu.matmul %get3A_35, %get3A_38, %dot_general3A_39 {dimension_numbers = #tpu.dot_dimension_numbers<[1], [1], [0], [0], [0, 0, 1, 0], [], []>, transpose_lhs_hint = false} : vector<1x128xf32>, vector<5000x128xf32>, vector<1x5000xf32> -> vector<1x5000xf32>
      %concatenate3A = tpu.concatenate %dot_general3A_16, %dot_general3A_24, %dot_general3A_32, %dot_general3A_40 in 1 : vector<1x5000xf32>, vector<1x5000xf32>, vector<1x5000xf32>, vector<1x5000xf32> -> vector<1x20000xf32>
      %get3A_41 = arith.index_cast %arg0 : i32 to index
      %get3A_42 = arith.constant 0 : index
      %get3A_43 = vector.load %arg8[%get3A_41, %get3A_42] : memref<5x20000xf32, #tpu.memory_space<vmem>>, vector<1x20000xf32>
      %add3A = arith.addf %concatenate3A, %get3A_43 : vector<1x20000xf32>
      %swap3A = arith.index_cast %arg0 : i32 to index
      %swap3A_44 = arith.constant 0 : index
      %swap3A_45 = vector.load %arg9[%swap3A, %swap3A_44] : memref<5x20000xf32, #tpu.memory_space<vmem>>, vector<1x20000xf32>
      tpu.vector_store %arg9[%swap3A, %swap3A_44], %add3A {strides = array<i32>} : memref<5x20000xf32, #tpu.memory_space<vmem>>, vector<1x20000xf32>,
      %get3A_46 = arith.constant 0 : index
      %get3A_47 = memref.load %arg11[%get3A_46] : memref<1xf32, #tpu.memory_space<smem>>
      %reduce_max3A = vector.shape_cast %add3A : vector<1x20000xf32> to vector<1x1x20000xf32>
      %reduce_max3A_48 = arith.constant dense<0xFF800000> : vector<1xf32>
      %reduce_max3A_49 = vector.multi_reduction <maximumf>, %reduce_max3A, %reduce_max3A_48 [1, 2] : vector<1x1x20000xf32> to vector<1xf32>
      %reduce_max3A_50 = vector.shape_cast %reduce_max3A_49 : vector<1xf32> to vector<1x1x1xf32>
      %reduce_max3A_51 = vector.extract %reduce_max3A_50[0, 0, 0] : f32 from vector<1x1x1xf32>
      %max3A = arith.maximumf %get3A_47, %reduce_max3A_51 : f32
      %swap3A_52 = arith.constant 0 : index
      %swap3A_53 = memref.load %arg11[%swap3A_52] : memref<1xf32, #tpu.memory_space<smem>>
      memref.store %max3A, %arg11[%swap3A_52] : memref<1xf32, #tpu.memory_space<smem>>
    } else {
    }
    %eq3A_6 = arith.constant 5 : i32
    %eq3A_7 = arith.cmpi eq, %arg0, %eq3A_6 : i32
    %convert_element_type3A_8 = arith.extui %eq3A_7 : i1 to i32
    %cond3A_9 = arith.constant 0 : i32
    %cond3A_10 = arith.cmpi ne, %convert_element_type3A_8, %cond3A_9 : i32
    scf.if %cond3A_10 {
      %get3A = arith.constant 0 : index
      %get3A_11 = memref.load %arg11[%get3A] : memref<1xf32, #tpu.memory_space<smem>>
      %get3A_12 = arith.constant 0 : index
      %get3A_13 = arith.constant 0 : index
      %get3A_14 = vector.load %arg9[%get3A_12, %get3A_13] : memref<5x20000xf32, #tpu.memory_space<vmem>>, vector<5x20000xf32>
      %sub3A = vector.broadcast %get3A_11 : f32 to vector<5x20000xf32>
      %sub3A_15 = arith.subf %get3A_14, %sub3A : vector<5x20000xf32>
      %exp3A = math.exp %sub3A_15 : vector<5x20000xf32>
      %reduce_sum3A = vector.shape_cast %exp3A : vector<5x20000xf32> to vector<1x5x20000xf32>
      %reduce_sum3A_16 = arith.constant dense<0.000000e+00> : vector<1xf32>
      %reduce_sum3A_17 = vector.multi_reduction <add>, %reduce_sum3A, %reduce_sum3A_16 [1, 2] : vector<1x5x20000xf32> to vector<1xf32>
      %reduce_sum3A_18 = vector.shape_cast %reduce_sum3A_17 : vector<1xf32> to vector<1x1x1xf32>
      %reduce_sum3A_19 = vector.extract %reduce_sum3A_18[0, 0, 0] : f32 from vector<1x1x1xf32>
      %log3A = math.log %reduce_sum3A_19 : f32
      %add3A = arith.addf %get3A_11, %log3A : f32
      %sub3A_20 = vector.broadcast %add3A : f32 to vector<5x20000xf32>
      %sub3A_21 = arith.subf %get3A_14, %sub3A_20 : vector<5x20000xf32>
      %swap3A = arith.constant 0 : index
      %swap3A_22 = arith.constant 0 : index
      %swap3A_23 = vector.load %arg9[%swap3A, %swap3A_22] : memref<5x20000xf32, #tpu.memory_space<vmem>>, vector<5x20000xf32>
      tpu.vector_store %arg9[%swap3A, %swap3A_22], %sub3A_21 {strides = array<i32>} : memref<5x20000xf32, #tpu.memory_space<vmem>>, vector<5x20000xf32>,
    } else {
    }
    return
  }
  func.func @transform_0(%arg0: i32) -> (i32, i32) {
    %c0_i32 = arith.constant 0 : i32
    %c0_i32_0 = arith.constant 0 : i32
    %c0_i32_1 = arith.constant 0 : i32
    return %c0_i32, %c0_i32_0 : i32, i32
  }
  func.func @transform_1(%arg0: i32) -> (i32, i32) {
    %c0_i32 = arith.constant 0 : i32
    %c0_i32_0 = arith.constant 0 : i32
    %c0_i32_1 = arith.constant 0 : i32
    return %c0_i32, %c0_i32_0 : i32, i32
  }
  func.func @transform_2(%arg0: i32) -> (i32, i32) {
    %c0_i32 = arith.constant 0 : i32
    %c0_i32_0 = arith.constant 0 : i32
    %c0_i32_1 = arith.constant 0 : i32
    return %c0_i32, %c0_i32_0 : i32, i32
  }
  func.func @transform_3(%arg0: i32) -> (i32, i32) {
    %min3A = arith.constant 4 : i32
    %min3A_0 = arith.minsi %arg0, %min3A : i32
    %mul3A = arith.constant 4 : i32
    %mul3A_1 = arith.muli %mul3A, %min3A_0 : i32
    %add3A = arith.constant 0 : i32
    %add3A_2 = arith.addi %mul3A_1, %add3A : i32
    %c0_i32 = arith.constant 0 : i32
    %c0_i32_3 = arith.constant 0 : i32
    return %add3A_2, %c0_i32 : i32, i32
  }
  func.func @transform_4(%arg0: i32) -> (i32, i32) {
    %min3A = arith.constant 4 : i32
    %min3A_0 = arith.minsi %arg0, %min3A : i32
    %mul3A = arith.constant 4 : i32
    %mul3A_1 = arith.muli %mul3A, %min3A_0 : i32
    %add3A = arith.constant 1 : i32
    %add3A_2 = arith.addi %mul3A_1, %add3A : i32
    %c0_i32 = arith.constant 0 : i32
    %c0_i32_3 = arith.constant 0 : i32
    return %add3A_2, %c0_i32 : i32, i32
  }
  func.func @transform_5(%arg0: i32) -> (i32, i32) {
    %min3A = arith.constant 4 : i32
    %min3A_0 = arith.minsi %arg0, %min3A : i32
    %mul3A = arith.constant 4 : i32
    %mul3A_1 = arith.muli %mul3A, %min3A_0 : i32
    %add3A = arith.constant 2 : i32
    %add3A_2 = arith.addi %mul3A_1, %add3A : i32
    %c0_i32 = arith.constant 0 : i32
    %c0_i32_3 = arith.constant 0 : i32
    return %add3A_2, %c0_i32 : i32, i32
  }
  func.func @transform_6(%arg0: i32) -> (i32, i32) {
    %min3A = arith.constant 4 : i32
    %min3A_0 = arith.minsi %arg0, %min3A : i32
    %mul3A = arith.constant 4 : i32
    %mul3A_1 = arith.muli %mul3A, %min3A_0 : i32
    %add3A = arith.constant 3 : i32
    %add3A_2 = arith.addi %mul3A_1, %add3A : i32
    %c0_i32 = arith.constant 0 : i32
    %c0_i32_3 = arith.constant 0 : i32
    return %add3A_2, %c0_i32 : i32, i32
  }
  func.func @transform_7(%arg0: i32) -> (i32, i32) {
    %c0_i32 = arith.constant 0 : i32
    %c0_i32_0 = arith.constant 0 : i32
    %c0_i32_1 = arith.constant 0 : i32
    return %c0_i32, %c0_i32_0 : i32, i32
  }
  func.func @transform_8(%arg0: i32) -> (i32, i32) {
    %c0_i32 = arith.constant 0 : i32
    %c0_i32_0 = arith.constant 0 : i32
    %c0_i32_1 = arith.constant 0 : i32
    return %c0_i32, %c0_i32_0 : i32, i32
  }
}

</mosaic_0001>

<sc_bundles>
// kernel: gather_offload_async_start
scs
__scs_entry_jumppad:
0x0: {  	(pc) =	sbr.rel $0x88, $3  }
0x1: {  	(tag) =	ssettag $0x0;
	lr =	simm.s32 $0x1  }
0x2: {  	[smem:$0x3F9B] =	sst lr;
	_ =	strace $0xD0000000  }
0x3: {  	_ = 	snop  }
0x4: {  	_ = 	snop  }
0x5: {  	_ = 	snop  }
0x6: {  	_ = 	snop  }
0x7: {  	_ = 	snop  }
__scs_overlays_trampoline_lowered:
0x8: {  	[smem:$0x3FAA] =	sst s0  }
0x9: {  	[smem:$0x3FAB] =	sst s1  }
0xa: {  	[smem:$0x3FAC] =	sst s2  }
0xb: {  	[smem:$0x3FAD] =	sst s3  }
0xc: {  	[smem:$0x3FAE] =	sst s4  }
0xd: {  	[smem:$0x3FAF] =	sst s5  }
0xe: {  	[smem:$0x3FB0] =	sst s6  }
0xf: {  	[smem:$0x3FB1] =	sst s7  }
0x10: {  	[smem:$0x3FB2] =	sst s8  }
0x11: {  	[smem:$0x3FB3] =	sst s9;
	s0 =	simm.s32 @!p0 $0x0  }
0x12: {  	s1 =	sld [smem:$0x3F99];
	s0 =	simm.s32 @p0 $0x1  }
0x13: {  	[smem:$0x3FB4] =	sst s0;
	s0 =	simm.s32 @!p1 $0x0  }
0x14: {  	s2 =	sld [smem:$0x3F98];
	s0 =	simm.s32 @p1 $0x1  }
0x15: {  	[smem:$0x3FB5] =	sst s0;
	s0 =	simm.s32 @!p2 $0x0  }
0x16: {  	s3 =	sld [smem:$0x3FDB];
	s0 =	simm.s32 @p2 $0x1  }
0x17: {  	s4 =	simm.s32 $0x1BF5;
	[smem:$0x3FB7] =	sst s0  }
0x18: {  	s0 =	sld [smem:$0x3F9A];
	_ =	swait.ge [sflag:s4], $0x0  }
0x19: {  	s7 =	sld [smem:$0x3F9B]  }
0x1a: {  	s8 =	sadd.s32 $0xFFFFE003, lr  }
0x1b: {  	s9 =	sadd.s32 $0xFFFFFEF7, lr;
	s5 =	simm.s32 $0xFFFFFFFF;
	p2 =	slt.u32 s8, $0xFFFFF086  }
0x1c: {  	p1 =	slt.u32 s9, $0xF7A;
	s5 =	simm.s32 @!p2 $0x0  }
0x1d: {  	s5 =	simm.s32 @p1 $0x1;
	p0 =	seq.s32 s7, s2  }
0x1e: {  	s7 =	smul.u32 @!p0 $0xF7A, s2;
	p2 =	seq.s32 @!p0 s5, $0x0  }
0x1f: {  	s9 =	smul.u32 $0xF7A, s1;
	s8 =	simm.s32 @!p0 $0x1BF5;
	p2 =	por !p2, p0  }
0x20: {  	[sflag:s8] =	ssyncset.s32 @!p0 $0xFFFFF086;
	s6 =	sadd.s32 @!p0 s3, s7;
	s7 =	simm.s32 @!p0 $0x108  }
0x21: {  	s3 =	sadd.s32 s3, s9;
	s6 =	sadd.s32 @!p0 $0x88, s6;
	s7 =	simm.s32 @p2 $0x1082  }
0x22: {  	[simem:s7], [sflag:s8] =	dma.local @!p0 [hbm:s6], $0xF7A  }
0x23: {  	s9 =	sor.u32 $0xD0000000, s2;
	s6 =	simm.s32 $0x108;
	_ =	swait.ge @!p0 [sflag:s8], $0x0  }
0x24: {  	s3 =	sadd.s32 $0x88, s3;
	s6 =	simm.s32 @!p1 $0x1082;
	[sflag:s4] =	ssyncset.s32 $0xFFFFF086  }
0x25: {  	[simem:s6], [sflag:s4] =	dma.local [hbm:s3], $0xF7A  }
0x26: {  	[smem:$0x3F9B] =	sst s1;
	(tag) =	ssettag s2;
	_ =	strace s9  }
0x27: {  	s1 =	sld [smem:$0x3FAB]  }
0x28: {  	s2 =	sld [smem:$0x3FAC]  }
0x29: {  	s4 =	sld [smem:$0x3FAE]  }
0x2a: {  	p0 =	seq.s32 s5, $0x0;
	s5 =	sld [smem:$0x3FAF]  }
0x2b: {  	s6 =	sld [smem:$0x3FB0]  }
0x2c: {  	s7 =	sld [smem:$0x3FB1]  }
0x2d: {  	s3 =	simm.s32 $0x108;
	s8 =	sld [smem:$0x3FB2]  }
0x2e: {  	s3 =	simm.s32 @!p0 $0x1082;
	s9 =	sld [smem:$0x3FB3]  }
0x2f: {  	lr =	sadd.s32 s0, s3;
	s0 =	sld [smem:$0x3FAA]  }
0x30: {  	s3 =	sld [smem:$0x3FAD]  }
0x31: {  	[smem:$0x3FB6] =	sst s10  }
0x32: {  	s10 =	sld [smem:$0x3FB4];
	_ =	sdelay $0x3  }
0x33: {  	p0 =	seq.s32 s10, $0x1;
	s10 =	sld [smem:$0x3FB6];
	_ =	sdelay $0x3  }
0x34: {  	[smem:$0x3FB6] =	sst s10  }
0x35: {  	s10 =	sld [smem:$0x3FB5];
	_ =	sdelay $0x3  }
0x36: {  	p1 =	seq.s32 s10, $0x1;
	s10 =	sld [smem:$0x3FB6];
	_ =	sdelay $0x3  }
0x37: {  	[smem:$0x3FB6] =	sst s10  }
0x38: {  	s10 =	sld [smem:$0x3FB7]  }
0x39: {  	_ = 	snop;
	(pc) =	sbr.ind lr, $3  }
0x3a: {  	_ = 	snop  }
0x3b: {  	_ = 	snop  }
0x3c: {  	p2 =	seq.s32 s10, $0x1;
	s10 =	sld [smem:$0x3FB6]  }
0x3d: {  	_ =	shalt  }
0x3e: {  	_ =	shalt  }
0x3f: {  	_ =	shalt  }
0x40: {  	_ =	shalt  }
0x41: {  	_ =	shalt  }
0x42: {  	_ =	shalt  }
0x43: {  	_ =	shalt  }
0x44: {  	_ =	shalt  }
0x45: {  	_ =	shalt  }
0x46: {  	_ =	shalt  }
0x47: {  	_ =	shalt  }
0x48: {  	_ =	shalt  }
0x49: {  	_ =	shalt  }
0x4a: {  	_ =	shalt  }
0x4b: {  	_ =	shalt  }
0x4c: {  	_ =	shalt  }
0x4d: {  	_ =	shalt  }
0x4e: {  	_ =	shalt  }
0x4f: {  	_ =	shalt  }
0x50: {  	_ =	shalt  }
0x51: {  	_ =	shalt  }
0x52: {  	_ =	shalt  }
0x53: {  	_ =	shalt  }
0x54: {  	_ =	shalt  }
0x55: {  	_ =	shalt  }
0x56: {  	_ =	shalt  }
0x57: {  	_ =	shalt  }
0x58: {  	_ =	shalt  }
0x59: {  	_ =	shalt  }
0x5a: {  	_ =	shalt  }
0x5b: {  	_ =	shalt  }
0x5c: {  	_ =	shalt  }
0x5d: {  	_ =	shalt  }
0x5e: {  	_ =	shalt  }
0x5f: {  	_ =	shalt  }
0x60: {  	_ =	shalt  }
0x61: {  	_ =	shalt  }
0x62: {  	_ =	shalt  }
0x63: {  	_ =	shalt  }
0x64: {  	_ =	shalt  }
0x65: {  	_ =	shalt  }
0x66: {  	_ =	shalt  }
0x67: {  	_ =	shalt  }
0x68: {  	_ =	shalt  }
0x69: {  	_ =	shalt  }
0x6a: {  	_ =	shalt  }
0x6b: {  	_ =	shalt  }
0x6c: {  	_ =	shalt  }
0x6d: {  	_ =	shalt  }
0x6e: {  	_ =	shalt  }
0x6f: {  	_ =	shalt  }
0x70: {  	_ =	shalt  }
0x71: {  	_ =	shalt  }
0x72: {  	_ =	shalt  }
0x73: {  	_ =	shalt  }
0x74: {  	_ =	shalt  }
0x75: {  	_ =	shalt  }
0x76: {  	_ =	shalt  }
0x77: {  	_ =	shalt  }
0x78: {  	_ =	shalt  }
0x79: {  	_ =	shalt  }
0x7a: {  	_ =	shalt  }
0x7b: {  	_ =	shalt  }
0x7c: {  	_ =	shalt  }
0x7d: {  	_ =	shalt  }
0x7e: {  	_ =	shalt  }
0x7f: {  	_ =	shalt  }
0x80: {  	_ =	shalt  }
0x81: {  	_ =	shalt  }
0x82: {  	_ =	shalt  }
0x83: {  	_ =	shalt  }
0x84: {  	_ =	shalt  }
0x85: {  	_ =	shalt  }
0x86: {  	_ =	shalt  }
0x87: {  	_ =	shalt  }
.Lfunc_end0:
.L_simem_size_0:
called_computation_lowered:
.L_overlay_start_0:
0x88: {  	s2 =	sld [smem:$0x3FD9]  }
0x89: {  	s3 =	sld [smem:$0x3FFE];
	_ =	sdelay $0x1  }
0x8a: {  	s1 =	srdreg.scid  }
0x8b: {  	s0 =	sand.u32 $0x1, s1  }
0x8c: {  	s17 =	sshll.u32 s0, $0xA;
	s2 =	sadd.s32 s3, s2  }
0x8d: {  	s2 =	sadd.s32 s2, s17  }
0x8e: {  	[smem:$0x3FC2] =	sst s2  }
0x8f: {  	_ = 	snop  }
0x90: {  	s2 =	sld [smem:$0x3FD0];
	(tm) =	ssettm $0x1  }
0x91: {  	s18 =	sld [smem:$0x3FFB];
	_ =	sdelay $0x3  }
0x92: {  	_ =	strace s18  }
0x93: {  	s3 =	sld [smem:$0x3FFC];
	_ =	sdelay $0x3  }
0x94: {  	_ =	strace s3  }
0x95: {  	s3 =	sld [smem:$0x3FFD];
	_ =	sdelay $0x3  }
0x96: {  	_ =	strace s3  }
0x97: {  	_ =	strace $0x8FFFFFFF  }
0x98: {  	s19 =	sld [smem:$0x3FDB];
	_ =	sdelay $0x1  }
0x99: {  	s4 =	simm.s32 $_scs_section_size  }
0x9a: {  	s5 =	simm.s32 $_size__tile_overlayer_lowered;
	s6 =	simm.s32 $_tile_overlayer_lowered  }
0x9b: {  	s22 =	simm.s32 $0x1BFF;
	s21 =	sshll.u32 s6, $0x1;
	s3 =	sadd.s32 s4, s19  }
0x9c: {  	s7 =	simm.s32 $0x0;
	s20 =	sshll.u32 s5, $0x1;
	s5 =	sadd.s32 s21, s3  }
0x9d: {  	[timem:s7], [sflag:s22] =	dma.local [hbm:s5], s20  }
0x9e: {  	_ =	swait.ge [sflag:s22], s20  }
0x9f: {  	s4 =	ssub.s32 $0x0, s20;
	[sflag:s22] =	ssyncset.done $0x0  }
0xa0: {  	[sflag:s22] =	ssyncadd.s32 s4;
	_ =	sdelay $0x1  }
0xa1: {  	s23 =	simm.s32 $0x1B8B  }
0xa2: {  	_ =	swait.ge [sflag:s23], $0x1  }
0xa3: {  	[sflag:s23] =	ssyncset.done $0x0  }
0xa4: {  	s25 =	simm.s32 $0x1B8E;
	s24 =	sld [smem:$0x3FFE];
	[sflag:s23] =	ssyncadd.s32 $0xFFFFFFFF  }
0xa5: {  	s26 =	simm.s32 $execute0_lowered;
	[smem:$0x3FD2] =	sst s25  }
0xa6: {  	s5 =	sshll.u32 s26, $0x1;
	_ =	strace $0x80000049;
	[dreg:$0x1] =	wrdreg $0xFFFFFFFF  }
0xa7: {  	s28 =	simm.s32 $_size_execute0_lowered;
	s3 =	sadd.s32 s3, s5;
	[dreg:$0x0] =	wrdreg $0x0  }
0xa8: {  	s5 =	sshll.u32 s28, $0x1;
	[dreg:$0x2] =	wrdreg s3  }
0xa9: {  	[dreg:$0x3] =	wrdreg s5  }
0xaa: {  	[dreg:$0x4] =	wrdreg $0xC0  }
0xab: {  	_ =	task [dreg:s7], $0x5FFFF  }
0xac: {  	[dreg:$0x1] =	wrdreg $0xFFFFFFFF  }
0xad: {  	[dreg:$0x0] =	wrdreg $0x60  }
0xae: {  	[dreg:$0x2] =	wrdreg s2  }
0xaf: {  	[dreg:$0x3] =	wrdreg s24  }
0xb0: {  	[dreg:$0x4] =	wrdreg $0x9  }
0xb1: {  	_ =	task.clear_ibuf [dreg:s7], $0x5FFFF;
	_ =	strace $0x90000049  }
0xb2: {  	s29 =	simm.s32 $0x9;
	_ =	strace $0x8000004B  }
0xb3: {  	_ =	swait.ge [sflag:s29], $0x1  }
0xb4: {  	[sflag:s29] =	ssyncadd.s32 $0xFFFFFFFF  }
0xb5: {  	_ =	strace $0x9000004B  }
0xb6: {  	_ =	sfence  }
0xb7: {  	s30 =	sld [smem:$0x0];
	_ =	sdelay $0x2  }
0xb8: {  	s31 =	sshll.u32 s1, $0xD;
	s1 =	sshrl.u32 s1, $0x2  }
0xb9: {  	s3 =	sand.u32 $0x4000, s31;
	s1 =	sadd.s32 s1, s30  }
0xba: {  	s0 =	sor.u32 s3, s0;
	s1 =	sshll.u32 s1, $0x11  }
0xbb: {  	s0 =	sor.u32 s1, s0  }
0xbc: {  	s0 =	sadd.s32 $0x8F2B, s0  }
0xbd: {  	[sflag:s0] =	ssyncadd.remote.s32 $0x1  }
0xbe: {  	_ =	sfence.sel $0xFFFF  }
0xbf: {  	[dreg:$0x0] =	wrdreg $0xFFFFFFFF;
	(pc) =	sbr.abs _section_cstart, $3  }
0xc0: {  	[dreg:$0x1] =	wrdreg $0xFFFFFFFF  }
0xc1: {  	_ =	task.clear_ibuf [dreg:s7], $0x2FFFF;
	_ =	strace $0x9FFFFFFF  }
0xc2: {  	(tm) =	ssettm $0x7FFFFFFF  }
0xc3: {  	_ =	shalt  }
tec
execute0_lowered:
.L_overlay_start_1:
0x0: {  	(tag) =	ssettag $0x1  }
0x1: {  	s2 =	rddreg [dreg:$0x0];
	s0 =	stileid.u32  }
0x2: {  	s1 =	srdreg.scid;
	s8 =	rddreg [dreg:$0x1]  }
0x3: {  	s5 =	simm.s32 $0x1;
	s9 =	simm.s32 $0x1;
	s10 =	simm.s32 $0x3  }
0x4: {  	s13 =	simm.s32 $0x0;
	s3 =	sand.u32 $0x1, s1;
	s4 =	sshll.u32 s0, $0x1  }
0x5: {  	s12 =	simm.s32 $0x0;
	s1 =	rddreg [dreg:$0x2];
	s6 =	sor.u32 s4, s3  }
0x6: {  	_ =	strace $0x8000004A;
	s3 =	sadd.s32 $0x1400, s8;
	s4 =	smul.u32 $0xA0, s6  }
0x7: {  	[sflag:s5] =	ssyncpa.u1 $0x0;
	p0 =	slt.u32 s6, $0x9;
	s6 =	simm.s32 $0x1400  }
.Ltmp0:
0x8: {  	s6 =	simm.s32 @!p0 $0x0;
	s7 =	ssub.s32 $0x1900, s4;
	(pc) =	sbr.rel .LBB2_1-.Ltmp0, $4  }
0x9: {  	s9 =	simm.s32 @!p0 $0x0;
	p0 =	sne.s32 s7, s6;
	s7 =	simm.s32 $0x1  }
0xa: {  	s8 =	sadd.s32 $0x1800, s8;
	s6 =	simm.s32 $0x2;
	s7 =	simm.s32 @!p0 $0x0  }
0xb: {  	s11 =	smov.u32 s4;
	[sflag:s6] =	ssyncpa.u1 $0x0;
	s7 =	sadd.s32 s9, s7  }
0xc: {  	vm0 =	vmmov $0xffff;
	[sflag:s10] =	ssyncpa.u1 $0x0;
	s10 =	simm.s32 $0x0;
	s9 =	sadd.s32 $0x1, s7  }
.LBB2_4:
0xd: {  	v5 =	vshrl.u32 v1, $0x8;
	v6 =	vshll.u32 v1, $0x7  }
0xe: {  	vm1 =	veq.s32 v1, $0x80000000;
	v58 =	vand.u32 $0x7F, v5;
	v59 =	vand.u32 $0x7F80, v6  }
0xf: {  	v1 =	vsel vm1, $0xFFFFFFFF, v58;
	v5 =	vsel vm1, $0xFFFFFF80, v59  }
0x10: {  	v3 =	vor.u32 v4, v3;
	v60 =	vand.u32 $0xFFFFFC00, v5;
	v61 =	vand.u32 $0xFFFFFC00, v1  }
0x11: {  	v2 =	vor.u32 v2, v3;
	v63 =	vand.u32 $0x380, v5;
	v62 =	vadd.s32 v61, v60  }
0x12: {  	v1 =	vand.u32 $0x7F, v1;
	v3 =	vor.u32 v63, v62  }
0x13: {  	v1 =	vor.u32 v1, v3  }
0x14: {  	[tilespmem:s17], [sflag:$0x1] =	stream.indirect_vreg.gather [hbm4b:s2+s10], $0x1, v0, vm0, $0x4038;
	[tilespmem:$0x280] =	vst v63  }
0x15: {  	(ifvalue) =	ssetifvalue $0x7FFFFFFF  }
0x16: {  	[tilespmem:s15], [sflag:$0x1] =	stream.indirect_vreg.gather [hbm4b:s2+s10], $0x1, v2, vm0, $0x4038;
	[tilespmem:$0x280] =	vst v63  }
0x17: {  	s29 =	sadd.s32 $0x10, s15;
	(ifvalue) =	ssetifvalue $0x7FFFFFFF  }
0x18: {  	[tilespmem:s29], [sflag:$0x1] =	stream.indirect_vreg.gather [hbm4b:s2+s10], $0x1, v1, vm0, $0x4038;
	[tilespmem:$0x280] =	vst v63  }
0x19: {  	_ =	swait.ge [sflag:s5], $0xA0  }
0x1a: {  	s30 =	sshrl.u32 s13, $0x3;
	[sflag:s5] =	ssyncset.done $0x0  }
0x1b: {  	s31 =	sand.u32 $0x7, s13;
	s15 =	sadd.s32 s8, s30;
	[sflag:s5] =	ssyncadd.s32 $0xFFFFFF60  }
0x1c: {  	[hbm4b:s15+s31] =	stream.linear.scatter [tilespmem:s14], [sflag:$0x3], $0xA0, $0x38;
	[tilespmem:$0x280] =	vst v63  }
.LBB2_5:
0x1d: {  	s15 =	sadd.s32 $0x1400, s11  }
0x1e: {  	p1 =	sgt.s32 s15, $0x18FF  }
0x1f: {  	s15 =	smov.u32 @p1 s4;
	p1 =	sne.s32 s12, s9  }
.Ltmp1:
0x20: {  	p0 =	slt.u32 s12, $0x2;
	(pc) =	sbr.rel @!p1 .LBB2_6-.Ltmp1, $4  }
0x21: {  	s14 =	simm.s32 @!p0 $0x3  }
0x22: {  	_ =	swait.ge @!p0 [sflag:s14], $0xA0  }
0x23: {  	s16 =	sadd.s32 $0x1, s12;
	s13 =	smov.u32 s11;
	[sflag:s14] =	ssyncset.done @!p0 $0x0  }
0x24: {  	s12 =	smov.u32 s16;
	s11 =	smov.u32 s15;
	[sflag:s14] =	ssyncadd.s32 @!p0 $0xFFFFFF60  }
.LBB2_1:
0x25: {  	p0 =	sge.u32 s12, s7  }
0x26: {  	s14 =	sxor.u32 @!p0 $0x1, s12  }
0x27: {  	s14 =	smul.u32 @!p0 $0x280, s14  }
0x28: {  	s31 =	sadd.s32 $0xFFFFFFFF, s12;
	s15 =	sshrl.u32 @!p0 s11, $0x3  }
0x29: {  	s16 =	sand.u32 @!p0 $0x7, s11;
	s15 =	sadd.s32 @!p0 s3, s15;
	s14 =	sshra.s32 @!p0 s14, $0x2  }
0x2a: {  	[tilespmem:s14], [sflag:$0x2] =	stream.linear.gather @!p0 [hbm4b:s15+s16], $0xA0, $0x38;
	[tilespmem:$0x280] =	vst v63  }
0x2b: {  	p0 =	sge.u32 s31, s7  }
.Ltmp2:
0x2c: {  	_ = 	snop;
	(pc) =	sbr.rel @p0 .LBB2_5-.Ltmp2, $1  }
0x2d: {  	_ =	sdelay $0x3  }
0x2e: {  	s14 =	sand.u32 $0x1, s12  }
0x2f: {  	_ =	swait.ge [sflag:s6], $0xA0;
	p0 =	seq.s32 s14, $0x1;
	s14 =	simm.s32 $0xA0  }
0x30: {  	[sflag:s6] =	ssyncset.done $0x0;
	s14 =	simm.s32 @!p0 $0x0  }
0x31: {  	[sflag:s6] =	ssyncadd.s32 $0xFFFFFF60;
	(ifvalue) =	ssetifvalue $0x7FFFFFFF;
	v0 =	vld.msk [tilespmem:s14+$0x0 ss:$0x1], $0xffff;
	_ =	sdelay $0x4  }
0x32: {  	s15 =	sadd.s32 $0x10, s14;
	v2 =	vshrl.u32 v0, $0x8;
	v3 =	vshll.u32 v0, $0x7  }
0x33: {  	v1 =	vld.msk [tilespmem:s15+$0x0 ss:$0x1], $0xffff;
	vm1 =	veq.s32 v0, $0x80000000;
	v0 =	vand.u32 $0x7F, v2;
	v2 =	vand.u32 $0x7F80, v3  }
0x34: {  	v0 =	vsel vm1, $0xFFFFFFFF, v0;
	v2 =	vsel vm1, $0xFFFFFF80, v2  }
0x35: {  	v3 =	vand.u32 $0xFFFFFC00, v2;
	v4 =	vand.u32 $0xFFFFFC00, v0  }
0x36: {  	v2 =	vand.u32 $0x380, v2;
	v3 =	vadd.s32 v4, v3  }
0x37: {  	v0 =	vand.u32 $0x7F, v0;
	v2 =	vor.u32 v2, v3  }
0x38: {  	v5 =	vshll.u32 v1, $0x7;
	v4 =	vshrl.u32 v1, $0x8;
	v0 =	vor.u32 v0, v2  }
0x39: {  	vm1 =	veq.s32 v1, $0x80000000;
	v1 =	vand.u32 $0x7F, v4;
	v4 =	vand.u32 $0x7F80, v5  }
0x3a: {  	s14 =	sor.u32 $0x140, s14;
	s15 =	sadd.s32 $0x10, s15;
	v3 =	vsel vm1, $0xFFFFFFFF, v1;
	v4 =	vsel vm1, $0xFFFFFF80, v4  }
0x3b: {  	s16 =	simm.s32 $0x20;
	s17 =	smov.u32 s14;
	v1 =	vld.msk [tilespmem:s15+$0x0 ss:$0x1], $0xffff;
	v5 =	vand.u32 $0xFFFFFC00, v4;
	v6 =	vand.u32 $0xFFFFFC00, v3  }
0x3c: {  	s18 =	sadd.s32 $0x10, s15;
	(ifvalue) =	ssetifvalue $0x7FFFFFFF;
	s15 =	sadd.s32 $0x10, s14;
	v2 =	vand.u32 $0x7F, v3;
	v4 =	vand.u32 $0x380, v4;
	v3 =	vadd.s32 v6, v5  }
.LBB2_3:
0x3d: {  	[tilespmem:s17], [sflag:$0x1] =	stream.indirect_vreg.gather [hbm4b:s2+s10], $0x1, v0, vm0, $0x4038;
	[tilespmem:$0x280] =	vst v63  }
0x3e: {  	s16 =	sadd.s32 $0x10, s16  }
0x3f: {  	v3 =	vor.u32 v4, v3;
	p0 =	slt.u32 s16, $0x90  }
.Ltmp3:
0x40: {  	v4 =	vshrl.u32 v1, $0x8;
	v5 =	vshll.u32 v1, $0x7;
	s17 =	smov.u32 s15;
	v0 =	vor.u32 v2, v3;
	v2 =	vmovc v1;
	v1 =	vld.msk [tilespmem:s18+$0x0 ss:$0x1], $0xffff;
	(pc) =	sbr.rel @p0 .LBB2_3-.Ltmp3, $4  }
0x41: {  	v3 =	vand.u32 $0x7F80, v5;
	vm1 =	veq.s32 v2, $0x80000000;
	v2 =	vand.u32 $0x7F, v4  }
0x42: {  	v4 =	vsel vm1, $0xFFFFFFFF, v2;
	v5 =	vsel vm1, $0xFFFFFF80, v3  }
0x43: {  	v2 =	vand.u32 $0x7F, v4;
	v3 =	vand.u32 $0xFFFFFC00, v5;
	v4 =	vand.u32 $0xFFFFFC00, v4  }
0x44: {  	s15 =	sadd.s32 $0x10, s15;
	s18 =	sadd.s32 $0x10, s18;
	v3 =	vadd.s32 v4, v3;
	v4 =	vand.u32 $0x380, v5;
	(ifvalue) =	ssetifvalue $0x7FFFFFFF  }
.Ltmp4:
0x45: {  	_ = 	snop;
	(pc) =	sbr.rel .LBB2_4-.Ltmp4, $1  }
0x46: {  	_ =	sdelay $0x3  }
.LBB2_6:
0x47: {  	_ =	sfence.sel $0x180000  }
0x48: {  	s2 =	simm.s32 $0x2;
	[bflag:$0x0] =	sbarrier.arrive $0xFFFF  }
0x49: {  	s30 =	simm.s32 $0x3;
	[sflag:s2] =	ssyncpa.u1 $0x1  }
0x4a: {  	s31 =	simm.s32 $0x1;
	[sflag:s30] =	ssyncpa.u1 $0x1  }
0x4b: {  	[sflag:s31] =	ssyncpa.u1 $0x1  }
0x4c: {  	p0 =	sne.s32 s0, $0x0;
	_ =	strace $0x9000004A  }
0x4d: {  	s0 =	sadd.s32 @!p0 $0x100000, s1;
	[bflag:$0x2] =	sbarrier.arrive $0xFFFF  }
0x4e: {  	[sflag:s0] =	ssyncadd.tile.s32 @!p0 $0x1;
	_ =	shalt  }
.Lfunc_end2:
_tile_overlayer_lowered:
.L_overlay_start_2:
0x4f: {  	(tag) =	ssettag $0x2  }
0x50: {  	s0 =	rddreg [dreg:$0x0];
	s2 =	stileid.u32  }
0x51: {  	s1 =	rddreg [dreg:$0x1];
	p0 =	sne.s32 s2, $0x0  }
0x52: {  	s3 =	rddreg [dreg:$0x2];
	[bflag:$0x3] =	sbarrier.arrive $0xFFFF;
	s2 =	simm.s32 @!p0 $0x1C01  }
0x53: {  	[timem:s3], [sflag:s2] =	dma.local @!p0 [hbm:s0], s1  }
0x54: {  	s0 =	simm.s32 @!p0 $0x1  }
0x55: {  	_ =	swait.ge @!p0 [sflag:s0], s1  }
0x56: {  	s1 =	ssub.s32 @!p0 $0x0, s1;
	[sflag:s0] =	ssyncset.done @!p0 $0x0  }
0x57: {  	[sflag:s0] =	ssyncadd.s32 @!p0 s1  }
0x58: {  	[bflag:$0x3] =	sbarrier.arrive $0xFFFF  }
0x59: {  	_ =	shalt  }

// kernel: kernel.4.cloned.1.call-start
scs
__scs_entry_jumppad:
0x0: {  	(pc) =	sbr.rel $0x88, $3  }
0x1: {  	(tag) =	ssettag $0x0;
	lr =	simm.s32 $0x1  }
0x2: {  	[smem:$0x3F9B] =	sst lr;
	_ =	strace $0xD0000000  }
0x3: {  	_ = 	snop  }
0x4: {  	_ = 	snop  }
0x5: {  	_ = 	snop  }
0x6: {  	_ = 	snop  }
0x7: {  	_ = 	snop  }
__scs_overlays_trampoline_lowered:
0x8: {  	[smem:$0x3FAA] =	sst s0  }
0x9: {  	[smem:$0x3FAB] =	sst s1  }
0xa: {  	[smem:$0x3FAC] =	sst s2  }
0xb: {  	[smem:$0x3FAD] =	sst s3  }
0xc: {  	[smem:$0x3FAE] =	sst s4  }
0xd: {  	[smem:$0x3FAF] =	sst s5  }
0xe: {  	[smem:$0x3FB0] =	sst s6  }
0xf: {  	[smem:$0x3FB1] =	sst s7  }
0x10: {  	[smem:$0x3FB2] =	sst s8  }
0x11: {  	[smem:$0x3FB3] =	sst s9;
	s0 =	simm.s32 @!p0 $0x0  }
0x12: {  	s1 =	sld [smem:$0x3F99];
	s0 =	simm.s32 @p0 $0x1  }
0x13: {  	[smem:$0x3FB4] =	sst s0;
	s0 =	simm.s32 @!p1 $0x0  }
0x14: {  	s2 =	sld [smem:$0x3F98];
	s0 =	simm.s32 @p1 $0x1  }
0x15: {  	[smem:$0x3FB5] =	sst s0;
	s0 =	simm.s32 @!p2 $0x0  }
0x16: {  	s3 =	sld [smem:$0x3FDB];
	s0 =	simm.s32 @p2 $0x1  }
0x17: {  	s4 =	simm.s32 $0x1BF5;
	[smem:$0x3FB7] =	sst s0  }
0x18: {  	s0 =	sld [smem:$0x3F9A];
	_ =	swait.ge [sflag:s4], $0x0  }
0x19: {  	s7 =	sld [smem:$0x3F9B]  }
0x1a: {  	s8 =	sadd.s32 $0xFFFFE003, lr  }
0x1b: {  	s9 =	sadd.s32 $0xFFFFFEF7, lr;
	s5 =	simm.s32 $0xFFFFFFFF;
	p2 =	slt.u32 s8, $0xFFFFF086  }
0x1c: {  	p1 =	slt.u32 s9, $0xF7A;
	s5 =	simm.s32 @!p2 $0x0  }
0x1d: {  	s5 =	simm.s32 @p1 $0x1;
	p0 =	seq.s32 s7, s2  }
0x1e: {  	s7 =	smul.u32 @!p0 $0xF7A, s2;
	p2 =	seq.s32 @!p0 s5, $0x0  }
0x1f: {  	s9 =	smul.u32 $0xF7A, s1;
	s8 =	simm.s32 @!p0 $0x1BF5;
	p2 =	por !p2, p0  }
0x20: {  	[sflag:s8] =	ssyncset.s32 @!p0 $0xFFFFF086;
	s6 =	sadd.s32 @!p0 s3, s7;
	s7 =	simm.s32 @!p0 $0x108  }
0x21: {  	s3 =	sadd.s32 s3, s9;
	s6 =	sadd.s32 @!p0 $0x88, s6;
	s7 =	simm.s32 @p2 $0x1082  }
0x22: {  	[simem:s7], [sflag:s8] =	dma.local @!p0 [hbm:s6], $0xF7A  }
0x23: {  	s9 =	sor.u32 $0xD0000000, s2;
	s6 =	simm.s32 $0x108;
	_ =	swait.ge @!p0 [sflag:s8], $0x0  }
0x24: {  	s3 =	sadd.s32 $0x88, s3;
	s6 =	simm.s32 @!p1 $0x1082;
	[sflag:s4] =	ssyncset.s32 $0xFFFFF086  }
0x25: {  	[simem:s6], [sflag:s4] =	dma.local [hbm:s3], $0xF7A  }
0x26: {  	[smem:$0x3F9B] =	sst s1;
	(tag) =	ssettag s2;
	_ =	strace s9  }
0x27: {  	s1 =	sld [smem:$0x3FAB]  }
0x28: {  	s2 =	sld [smem:$0x3FAC]  }
0x29: {  	s4 =	sld [smem:$0x3FAE]  }
0x2a: {  	p0 =	seq.s32 s5, $0x0;
	s5 =	sld [smem:$0x3FAF]  }
0x2b: {  	s6 =	sld [smem:$0x3FB0]  }
0x2c: {  	s7 =	sld [smem:$0x3FB1]  }
0x2d: {  	s3 =	simm.s32 $0x108;
	s8 =	sld [smem:$0x3FB2]  }
0x2e: {  	s3 =	simm.s32 @!p0 $0x1082;
	s9 =	sld [smem:$0x3FB3]  }
0x2f: {  	lr =	sadd.s32 s0, s3;
	s0 =	sld [smem:$0x3FAA]  }
0x30: {  	s3 =	sld [smem:$0x3FAD]  }
0x31: {  	[smem:$0x3FB6] =	sst s10  }
0x32: {  	s10 =	sld [smem:$0x3FB4];
	_ =	sdelay $0x3  }
0x33: {  	p0 =	seq.s32 s10, $0x1;
	s10 =	sld [smem:$0x3FB6];
	_ =	sdelay $0x3  }
0x34: {  	[smem:$0x3FB6] =	sst s10  }
0x35: {  	s10 =	sld [smem:$0x3FB5];
	_ =	sdelay $0x3  }
0x36: {  	p1 =	seq.s32 s10, $0x1;
	s10 =	sld [smem:$0x3FB6];
	_ =	sdelay $0x3  }
0x37: {  	[smem:$0x3FB6] =	sst s10  }
0x38: {  	s10 =	sld [smem:$0x3FB7]  }
0x39: {  	_ = 	snop;
	(pc) =	sbr.ind lr, $3  }
0x3a: {  	_ = 	snop  }
0x3b: {  	_ = 	snop  }
0x3c: {  	p2 =	seq.s32 s10, $0x1;
	s10 =	sld [smem:$0x3FB6]  }
0x3d: {  	_ =	shalt  }
0x3e: {  	_ =	shalt  }
0x3f: {  	_ =	shalt  }
0x40: {  	_ =	shalt  }
0x41: {  	_ =	shalt  }
0x42: {  	_ =	shalt  }
0x43: {  	_ =	shalt  }
0x44: {  	_ =	shalt  }
0x45: {  	_ =	shalt  }
0x46: {  	_ =	shalt  }
0x47: {  	_ =	shalt  }
0x48: {  	_ =	shalt  }
0x49: {  	_ =	shalt  }
0x4a: {  	_ =	shalt  }
0x4b: {  	_ =	shalt  }
0x4c: {  	_ =	shalt  }
0x4d: {  	_ =	shalt  }
0x4e: {  	_ =	shalt  }
0x4f: {  	_ =	shalt  }
0x50: {  	_ =	shalt  }
0x51: {  	_ =	shalt  }
0x52: {  	_ =	shalt  }
0x53: {  	_ =	shalt  }
0x54: {  	_ =	shalt  }
0x55: {  	_ =	shalt  }
0x56: {  	_ =	shalt  }
0x57: {  	_ =	shalt  }
0x58: {  	_ =	shalt  }
0x59: {  	_ =	shalt  }
0x5a: {  	_ =	shalt  }
0x5b: {  	_ =	shalt  }
0x5c: {  	_ =	shalt  }
0x5d: {  	_ =	shalt  }
0x5e: {  	_ =	shalt  }
0x5f: {  	_ =	shalt  }
0x60: {  	_ =	shalt  }
0x61: {  	_ =	shalt  }
0x62: {  	_ =	shalt  }
0x63: {  	_ =	shalt  }
0x64: {  	_ =	shalt  }
0x65: {  	_ =	shalt  }
0x66: {  	_ =	shalt  }
0x67: {  	_ =	shalt  }
0x68: {  	_ =	shalt  }
0x69: {  	_ =	shalt  }
0x6a: {  	_ =	shalt  }
0x6b: {  	_ =	shalt  }
0x6c: {  	_ =	shalt  }
0x6d: {  	_ =	shalt  }
0x6e: {  	_ =	shalt  }
0x6f: {  	_ =	shalt  }
0x70: {  	_ =	shalt  }
0x71: {  	_ =	shalt  }
0x72: {  	_ =	shalt  }
0x73: {  	_ =	shalt  }
0x74: {  	_ =	shalt  }
0x75: {  	_ =	shalt  }
0x76: {  	_ =	shalt  }
0x77: {  	_ =	shalt  }
0x78: {  	_ =	shalt  }
0x79: {  	_ =	shalt  }
0x7a: {  	_ =	shalt  }
0x7b: {  	_ =	shalt  }
0x7c: {  	_ =	shalt  }
0x7d: {  	_ =	shalt  }
0x7e: {  	_ =	shalt  }
0x7f: {  	_ =	shalt  }
0x80: {  	_ =	shalt  }
0x81: {  	_ =	shalt  }
0x82: {  	_ =	shalt  }
0x83: {  	_ =	shalt  }
0x84: {  	_ =	shalt  }
0x85: {  	_ =	shalt  }
0x86: {  	_ =	shalt  }
0x87: {  	_ =	shalt  }
.Lfunc_end0:
.L_simem_size_0:
called_computation.1_lowered:
.L_overlay_start_0:
0x88: {  	s2 =	sld [smem:$0x3FD9]  }
0x89: {  	s3 =	sld [smem:$0x3FFE];
	_ =	sdelay $0x1  }
0x8a: {  	s1 =	srdreg.scid  }
0x8b: {  	s0 =	sand.u32 $0x1, s1  }
0x8c: {  	s17 =	sshll.u32 s0, $0xA;
	s2 =	sadd.s32 s3, s2  }
0x8d: {  	s2 =	sadd.s32 s2, s17  }
0x8e: {  	[smem:$0x3FC2] =	sst s2  }
0x8f: {  	_ = 	snop  }
0x90: {  	s2 =	sld [smem:$0x3FD0];
	(tm) =	ssettm $0x1  }
0x91: {  	s18 =	sld [smem:$0x3FFB];
	_ =	sdelay $0x3  }
0x92: {  	_ =	strace s18  }
0x93: {  	s3 =	sld [smem:$0x3FFC];
	_ =	sdelay $0x3  }
0x94: {  	_ =	strace s3  }
0x95: {  	s3 =	sld [smem:$0x3FFD];
	_ =	sdelay $0x3  }
0x96: {  	_ =	strace s3  }
0x97: {  	_ =	strace $0x8FFFFFFF  }
0x98: {  	s19 =	sld [smem:$0x3FDB];
	_ =	sdelay $0x1  }
0x99: {  	s4 =	simm.s32 $_scs_section_size  }
0x9a: {  	s5 =	simm.s32 $_size__tile_overlayer_lowered;
	s6 =	simm.s32 $_tile_overlayer_lowered  }
0x9b: {  	s22 =	simm.s32 $0x1BFF;
	s21 =	sshll.u32 s6, $0x1;
	s3 =	sadd.s32 s4, s19  }
0x9c: {  	s7 =	simm.s32 $0x0;
	s20 =	sshll.u32 s5, $0x1;
	s5 =	sadd.s32 s21, s3  }
0x9d: {  	[timem:s7], [sflag:s22] =	dma.local [hbm:s5], s20  }
0x9e: {  	_ =	swait.ge [sflag:s22], s20  }
0x9f: {  	s4 =	ssub.s32 $0x0, s20;
	[sflag:s22] =	ssyncset.done $0x0  }
0xa0: {  	[sflag:s22] =	ssyncadd.s32 s4;
	_ =	sdelay $0x1  }
0xa1: {  	s23 =	simm.s32 $0x1B8B  }
0xa2: {  	_ =	swait.ge [sflag:s23], $0x1  }
0xa3: {  	[sflag:s23] =	ssyncset.done $0x0  }
0xa4: {  	s25 =	simm.s32 $0x1B8E;
	s24 =	sld [smem:$0x3FFE];
	[sflag:s23] =	ssyncadd.s32 $0xFFFFFFFF  }
0xa5: {  	s26 =	simm.s32 $execute0_lowered;
	[smem:$0x3FD2] =	sst s25  }
0xa6: {  	s5 =	sshll.u32 s26, $0x1;
	_ =	strace $0x80000046;
	[dreg:$0x1] =	wrdreg $0xFFFFFFFF  }
0xa7: {  	s28 =	simm.s32 $_size_execute0_lowered;
	s3 =	sadd.s32 s3, s5;
	[dreg:$0x0] =	wrdreg $0x0  }
0xa8: {  	s5 =	sshll.u32 s28, $0x1;
	[dreg:$0x2] =	wrdreg s3  }
0xa9: {  	[dreg:$0x3] =	wrdreg s5  }
0xaa: {  	[dreg:$0x4] =	wrdreg $0xC0  }
0xab: {  	_ =	task [dreg:s7], $0x5FFFF  }
0xac: {  	[dreg:$0x1] =	wrdreg $0xFFFFFFFF  }
0xad: {  	[dreg:$0x0] =	wrdreg $0x60  }
0xae: {  	[dreg:$0x2] =	wrdreg s24  }
0xaf: {  	[dreg:$0x3] =	wrdreg s2  }
0xb0: {  	[dreg:$0x4] =	wrdreg $0x9  }
0xb1: {  	_ =	task.clear_ibuf [dreg:s7], $0x5FFFF;
	_ =	strace $0x90000046  }
0xb2: {  	s29 =	simm.s32 $0x9;
	_ =	strace $0x80000048  }
0xb3: {  	_ =	swait.ge [sflag:s29], $0x1  }
0xb4: {  	[sflag:s29] =	ssyncadd.s32 $0xFFFFFFFF  }
0xb5: {  	_ =	strace $0x90000048  }
0xb6: {  	_ =	sfence  }
0xb7: {  	s30 =	sld [smem:$0x0];
	_ =	sdelay $0x2  }
0xb8: {  	s31 =	sshll.u32 s1, $0xD;
	s1 =	sshrl.u32 s1, $0x2  }
0xb9: {  	s3 =	sand.u32 $0x4000, s31;
	s1 =	sadd.s32 s1, s30  }
0xba: {  	s0 =	sor.u32 s3, s0;
	s1 =	sshll.u32 s1, $0x11  }
0xbb: {  	s0 =	sor.u32 s1, s0  }
0xbc: {  	s0 =	sadd.s32 $0x8F2B, s0  }
0xbd: {  	[sflag:s0] =	ssyncadd.remote.s32 $0x1  }
0xbe: {  	_ =	sfence.sel $0xFFFF  }
0xbf: {  	[dreg:$0x0] =	wrdreg $0xFFFFFFFF;
	(pc) =	sbr.abs _section_cstart, $3  }
0xc0: {  	[dreg:$0x1] =	wrdreg $0xFFFFFFFF  }
0xc1: {  	_ =	task.clear_ibuf [dreg:s7], $0x2FFFF;
	_ =	strace $0x9FFFFFFF  }
0xc2: {  	(tm) =	ssettm $0x7FFFFFFF  }
0xc3: {  	_ =	shalt  }
tec
execute0_lowered:
.L_overlay_start_1:
0x0: {  	(tag) =	ssettag $0x1  }
0x1: {  	s1 =	srdreg.scid;
	s0 =	stileid.u32  }
0x2: {  	s6 =	sand.u32 $0x1, s1;
	s3 =	sshll.u32 s0, $0x1  }
0x3: {  	s10 =	sor.u32 s6, s3  }
0x4: {  	p0 =	sgt.u32 s10, $0x18  }
.Ltmp0:
0x5: {  	_ = 	snop;
	(pc) =	sbr.rel @p0 .LBB2_4-.Ltmp0, $4  }
0x6: {  	s5 =	rddreg [dreg:$0x0]  }
0x7: {  	s9 =	rddreg [dreg:$0x1];
	s2 =	simm.s32 $0x0  }
0x8: {  	[smem:$0x7FF] =	sst s2  }
0x9: {  	s1 =	rddreg [dreg:$0x2];
	_ =	strace $0x80000047  }
0xa: {  	s3 =	sadd.s32 $0x1200, s5;
	s5 =	sadd.s32 $0x187C00, s5  }
0xb: {  	s11 =	ssub.s32 $0x2, s6;
	s4 =	sadd.s32 s3, s10;
	s3 =	simm.s32 $0x2  }
0xc: {  	[tilespmem:s2], [sflag:$0x2] =	stream.linear.gather [hbm4b:s4+s2], $0x8, $0x38;
	[tilespmem:$0x480] =	vst v63  }
0xd: {  	s6 =	simm.s32 $0x8;
	s12 =	sshrl.u32 s11, $0x1;
	_ =	swait.ge [sflag:s3], $0x8  }
0xe: {  	s7 =	simm.s32 $0x80;
	s11 =	ssub.s32 s11, s12;
	[sflag:s3] =	ssyncset.done $0x0  }
0xf: {  	s8 =	simm.s32 $0x1;
	s31 =	smax.u32 s11, $0x1;
	[sflag:s3] =	ssyncadd.s32 $0xFFFFFFF8  }
0x10: {  	[tilespmem:s7], [sflag:$0x1] =	stream.indirect.gather [hbm4b:s5+s6], $0x80, s2, s6, $0xb8;
	[tilespmem:$0x480] =	vst v63  }
0x11: {  	p0 =	sne.s32 s31, $0x1;
	_ =	swait.ge [sflag:s8], $0x400  }
.Ltmp1:
0x12: {  	s30 =	sshll.u32 s10, $0x7;
	[sflag:s8] =	ssyncset.done $0x0;
	(pc) =	sbr.rel @!p0 .LBB2_3-.Ltmp1, $4  }
0x13: {  	s9 =	sadd.s32 s9, s30;
	[sflag:s8] =	ssyncadd.s32 $0xFFFFFC00  }
0x14: {  	[hbm4b:s9+s2] =	stream.linear.scatter [tilespmem:s7], [sflag:$0x2], $0x400, $0x38;
	[tilespmem:$0x480] =	vst v63  }
0x15: {  	_ =	swait.ge [sflag:s3], $0x400  }
0x16: {  	s10 =	sadd.s32 $0xFFFFFFFF, s31;
	[sflag:s3] =	ssyncset.done $0x0  }
.LBB2_2:
0x17: {  	p0 =	sne.s32 s10, $0x1;
	s10 =	sadd.s32 $0xFFFFFFFF, s10;
	[sflag:s3] =	ssyncadd.s32 $0xFFFFFC00  }
0x18: {  	[tilespmem:s2], [sflag:$0x2] =	stream.linear.gather [hbm4b:s4+s2], $0x8, $0x38;
	[tilespmem:$0x480] =	vst v63  }
0x19: {  	_ =	swait.ge [sflag:s3], $0x8  }
0x1a: {  	[sflag:s3] =	ssyncset.done $0x0  }
0x1b: {  	[sflag:s3] =	ssyncadd.s32 $0xFFFFFFF8  }
0x1c: {  	[tilespmem:s7], [sflag:$0x1] =	stream.indirect.gather [hbm4b:s5+s6], $0x80, s2, s6, $0xb8;
	[tilespmem:$0x480] =	vst v63  }
0x1d: {  	_ =	swait.ge [sflag:s8], $0x400  }
.Ltmp2:
0x1e: {  	[sflag:s8] =	ssyncset.done $0x0;
	(pc) =	sbr.rel @p0 .LBB2_2-.Ltmp2, $4  }
0x1f: {  	[sflag:s8] =	ssyncadd.s32 $0xFFFFFC00  }
0x20: {  	[hbm4b:s9+s2] =	stream.linear.scatter [tilespmem:s7], [sflag:$0x2], $0x400, $0x38;
	[tilespmem:$0x480] =	vst v63  }
0x21: {  	_ =	swait.ge [sflag:s3], $0x400  }
0x22: {  	[sflag:s3] =	ssyncset.done $0x0  }
.LBB2_3:
0x23: {  	[sflag:s3] =	ssyncadd.s32 $0xFFFFFC00  }
.LBB2_4:
0x24: {  	_ =	sfence.sel $0x180000  }
0x25: {  	[bflag:$0x0] =	sbarrier.arrive $0xFFFF  }
0x26: {  	p0 =	sne.s32 s0, $0x0;
	_ =	strace $0x90000047  }
0x27: {  	s0 =	sadd.s32 @!p0 $0x100000, s1;
	[bflag:$0x2] =	sbarrier.arrive $0xFFFF  }
0x28: {  	[sflag:s0] =	ssyncadd.tile.s32 @!p0 $0x1;
	_ =	shalt  }
.Lfunc_end2:
_tile_overlayer_lowered:
.L_overlay_start_2:
0x29: {  	(tag) =	ssettag $0x2  }
0x2a: {  	s0 =	rddreg [dreg:$0x0];
	s2 =	stileid.u32  }
0x2b: {  	s1 =	rddreg [dreg:$0x1];
	p0 =	sne.s32 s2, $0x0  }
0x2c: {  	s3 =	rddreg [dreg:$0x2];
	[bflag:$0x3] =	sbarrier.arrive $0xFFFF;
	s2 =	simm.s32 @!p0 $0x1C02  }
0x2d: {  	[timem:s3], [sflag:s2] =	dma.local @!p0 [hbm:s0], s1  }
0x2e: {  	s0 =	simm.s32 @!p0 $0x2  }
0x2f: {  	_ =	swait.ge @!p0 [sflag:s0], s1  }
0x30: {  	s1 =	ssub.s32 @!p0 $0x0, s1;
	[sflag:s0] =	ssyncset.done @!p0 $0x0  }
0x31: {  	[sflag:s0] =	ssyncadd.s32 @!p0 s1  }
0x32: {  	[bflag:$0x3] =	sbarrier.arrive $0xFFFF  }
0x33: {  	_ =	shalt  }

</sc_bundles>
